<compile_context>
chip_gen: v7x
topology: tpu7x:2x2x1
jax: 0.10.2.dev20260603
libtpu: 0.0.44.dev20260713+nightly
codegen_flags: <defaults>
</compile_context>

<pallas_src>
import functools

import jax
import jax.numpy as jnp
from jax import lax
from jax.experimental import pallas as pl
from jax.experimental.pallas import tpu as pltpu
from jax.experimental.pallas import tpu_sc as plsc

N_NODES = 10000
D_OUT = 128
N_EDGES = 320000

NC = 2
NS = 16
NW = NC * NS
K = 128

CPW_A = 119
CPW_B = 39
NCHUNKS = NS * (CPW_A + CPW_B)
E_PAD = NCHUNKS * K

ACC_ROWS = 10240
SHARD = ACC_ROWS // NS
LAST_ROWS = N_NODES - (NS - 1) * SHARD


def _matmul_body(x_ref, w_ref, o_ref):
    o_ref[...] = jnp.dot(x_ref[...], w_ref[...],
                         preferred_element_type=jnp.float32)


def _matmul(X, W):
    n, d_in = X.shape
    d_out = W.shape[1]
    blk = 2000
    grid = n // blk
    return pl.pallas_call(
        _matmul_body,
        grid=(grid,),
        in_specs=[
            pl.BlockSpec((blk, d_in), lambda i: (i, 0)),
            pl.BlockSpec((d_in, d_out), lambda i: (0, 0)),
        ],
        out_specs=pl.BlockSpec((blk, d_out), lambda i: (i, 0)),
        out_shape=jax.ShapeDtypeStruct((n, d_out), jnp.float32),
    )(X, W)


def _sc_body(wh_hbm, edg_hbm, out_hbm, acc, idx_all, rows, gsem):
    cid = lax.axis_index("c")
    sid = lax.axis_index("s")
    wbase = jnp.where(cid == 0, sid * CPW_A, NS * CPW_A + sid * CPW_B)

    @pl.when(cid == 0)
    def _():
        pltpu.async_copy(edg_hbm.at[pl.ds(wbase, CPW_A)], idx_all, gsem)

    @pl.when(cid == 1)
    def _():
        pltpu.async_copy(edg_hbm.at[pl.ds(wbase, CPW_B)],
                         idx_all.at[pl.ds(0, CPW_B)], gsem)

    def _zero_row(i, carry):
        for c in range(D_OUT // 16):
            rows[i, pl.ds(c * 16, 16)] = jnp.zeros((16,), jnp.float32)
        return carry

    lax.fori_loop(0, K, _zero_row, 0)
    zbase = sid * SHARD
    for j in range(SHARD // K):
        pltpu.sync_copy(rows, acc.at[pl.ds(zbase + j * K, K), :])
    plsc.subcore_barrier()

    def _chunk(c, carry):
        pltpu.async_copy(wh_hbm.at[idx_all.at[c, 1]], rows, gsem).wait()
        pltpu.sync_copy(rows, acc.at[idx_all.at[c, 0]], add=True)
        return carry

    @pl.when(cid == 0)
    def _():
        pltpu.make_async_copy(edg_hbm.at[pl.ds(wbase, CPW_A)], idx_all,
                              gsem).wait()
        lax.fori_loop(0, CPW_A, _chunk, 0)

    @pl.when(cid == 1)
    def _():
        pltpu.make_async_copy(edg_hbm.at[pl.ds(wbase, CPW_B)],
                              idx_all.at[pl.ds(0, CPW_B)], gsem).wait()
        lax.fori_loop(0, CPW_B, _chunk, 0)

    plsc.subcore_barrier()

    rb = sid * SHARD

    @pl.when(sid < NS - 1)
    def _():
        pltpu.sync_copy(acc.at[pl.ds(rb, SHARD), :],
                        out_hbm.at[cid, pl.ds(rb, SHARD), :])

    @pl.when(sid == NS - 1)
    def _():
        pltpu.sync_copy(acc.at[pl.ds(rb, LAST_ROWS), :],
                        out_hbm.at[cid, pl.ds(rb, LAST_ROWS), :])


_sc_scatter = functools.partial(
    pl.kernel,
    out_type=jax.ShapeDtypeStruct((NC, N_NODES, D_OUT), jnp.float32),
    mesh=plsc.VectorSubcoreMesh(core_axis_name="c", subcore_axis_name="s"),
    scratch_types=[
        pltpu.VMEM_SHARED((ACC_ROWS, D_OUT), jnp.float32),
        pltpu.VMEM((CPW_A, 2, K), jnp.int32),
        pltpu.VMEM((K, D_OUT), jnp.float32),
        pltpu.SemaphoreType.DMA,
    ],
)(_sc_body)


def _sum_body(p_ref, o_ref):
    o_ref[...] = p_ref[0] + p_ref[1]


def _sum2(parts):
    _, n, d = parts.shape
    blk = 2000
    return pl.pallas_call(
        _sum_body,
        grid=(n // blk,),
        in_specs=[pl.BlockSpec((NC, blk, d), lambda i: (0, i, 0))],
        out_specs=pl.BlockSpec((blk, d), lambda i: (i, 0)),
        out_shape=jax.ShapeDtypeStruct((n, d), jnp.float32),
    )(parts)


def kernel(X, edges, W, a):
    del a
    n = X.shape[0]
    e = edges.shape[1]
    Wh = _matmul(X, W)
    src = edges[0].astype(jnp.int32)
    tgt = edges[1].astype(jnp.int32)
    pad = E_PAD - e
    src = jnp.concatenate([src, jnp.full((pad,), n, jnp.int32)])
    tgt = jnp.concatenate([tgt, jnp.zeros((pad,), jnp.int32)])
    edg = jnp.stack([src.reshape(NCHUNKS, K), tgt.reshape(NCHUNKS, K)],
                    axis=1)
    parts = _sc_scatter(Wh, edg)
    return _sum2(parts)

# --- scband reference (transcript-rebuilt; emitter-appended) ---
"""Pipeline reference for scband-sparse-graph-attention-layer-5205500363118 (READ-ONLY COPY).

The authoritative reference and input builder live on the scoring server;
editing this copy changes nothing except your own understanding.
"""

import jax, jax.numpy as jnp
import numpy as np

N_NODES = 10000
D_IN = 128
D_OUT = 128
N_EDGES = 320000
ALPHA = 0.2


def setup_inputs(seed: int = 0) -> dict:
    key = jax.random.key(seed)
    k1, k2, k3, k4 = jax.random.split(key, 4)
    X = jax.random.normal(k1, (N_NODES, D_IN), dtype=jnp.float32)
    edges = jax.random.randint(k2, (2, N_EDGES), 0, N_NODES, dtype=jnp.int64)
    # xavier_uniform with gain=1.414
    gain = 1.414
    limit_W = gain * np.sqrt(6.0 / (D_IN + D_OUT))
    W = jax.random.uniform(k3, (D_IN, D_OUT), minval=-limit_W, maxval=limit_W, dtype=jnp.float32)
    limit_a = gain * np.sqrt(6.0 / (2 * D_OUT + 1))
    a = jax.random.uniform(k4, (2 * D_OUT, 1), minval=-limit_a, maxval=limit_a, dtype=jnp.float32)
    return {"X": X, "edges": edges, "W": W, "a": a}


def reference(X, edges, W, a):
    # dropout p=0.0 -> identity (omitted)
    N = X.shape[0]
    Wh = jnp.matmul(X, W)
    source = edges[0]
    target = edges[1]
    Whij = jnp.concatenate([Wh[source], Wh[target]], axis=1)
    e = jax.nn.leaky_relu(jnp.matmul(Whij, a), negative_slope=ALPHA)
    # sparse softmax over edges grouped by source node
    e_max = e.max()
    e_exp = jnp.exp(e - e_max)
    e_exp_sum = jax.ops.segment_sum(e_exp, source, num_segments=N)
    e_exp_sum = e_exp_sum + 1e-10
    e_softmax = e_exp / e_exp_sum[source]
    # faithful to original: nn.Softmax(dim=1) applied to an [E,1] tensor
    attention = jax.nn.softmax(e_softmax, axis=1)
    # sparse matmul: scatter-add (attention * Wh[target]) into rows indexed by source
    h_prime = jax.ops.segment_sum(attention * Wh[target], source, num_segments=N)
    return h_prime

if __name__ == "__main__":
    import jax
    _d = setup_inputs()
    print(jax.jit(kernel)(*tuple(_d.values())))

</pallas_src>

<mosaic_0001>
#map = affine_map<(d0, d1) -> (0, 0)>
#map1 = affine_map<(d0, d1) -> (0, 0, 0)>
module attributes {stable_mosaic.version = 14 : i64} {
  func.func @_sc_body(%arg0: i32, %arg1: i32, %arg2: memref<10000x128xf32, #tpu.memory_space<hbm>>, %arg3: memref<2528x2x128xi32, #tpu.memory_space<hbm>>, %arg4: memref<2x10000x128xf32, #tpu.memory_space<hbm>>, %arg5: memref<10240x128xf32, #tpu.memory_space<vmem_shared>>, %arg6: memref<119x2x128xi32, #tpu.memory_space<vmem>>, %arg7: memref<128x128xf32, #tpu.memory_space<vmem>>, %arg8: memref<!tpu.dma_semaphore, #tpu.memory_space<semaphore_mem>>) attributes {dimension_semantics = [#tpu.dimension_semantics<core_parallel>, #tpu.dimension_semantics<subcore_parallel>], iteration_bounds = array<i64: 2, 16>, scalar_prefetch = 0 : i64, scratch_operands = 4 : i64, tpu.core_type = #tpu.core_type<sc_vector_subcore>, window_params = [{transform_indices = #map}, {transform_indices = #map1}, {transform_indices = #map1}]} {
    %eq3A = arith.constant 0 : i32
    %eq3A_0 = arith.cmpi eq, %arg0, %eq3A : i32
    %mul3A = arith.constant 119 : i32
    %mul3A_1 = arith.muli %arg1, %mul3A : i32
    %mul3A_2 = arith.constant 39 : i32
    %mul3A_3 = arith.muli %arg1, %mul3A_2 : i32
    %add3A = arith.constant 1904 : i32
    %add3A_4 = arith.addi %add3A, %mul3A_3 : i32
    %select_n3A = arith.select %eq3A_0, %mul3A_1, %add3A_4 : i32
    %eq3A_5 = arith.constant 0 : i32
    %eq3A_6 = arith.cmpi eq, %arg0, %eq3A_5 : i32
    %convert_element_type3A = arith.extui %eq3A_6 : i1 to i32
    %cond3A = arith.constant 0 : i32
    %cond3A_7 = arith.cmpi ne, %convert_element_type3A, %cond3A : i32
    scf.if %cond3A_7 {
      %dma_start3A = arith.constant 0 : i32
      %dma_start3A_52 = arith.constant 0 : i32
      %dma_start3A_53 = tpu.memref_slice %arg3[%select_n3A, %dma_start3A, %dma_start3A_52] : memref<2528x2x128xi32, #tpu.memory_space<hbm>> -> memref<119x2x128xi32, #tpu.memory_space<hbm>>
      %dma_start3A_54 = arith.constant 0 : i32
      %dma_start3A_55 = arith.constant 0 : i32
      %dma_start3A_56 = tpu.memref_slice %arg3[%select_n3A, %dma_start3A_54, %dma_start3A_55] : memref<2528x2x128xi32, #tpu.memory_space<hbm>> -> memref<119x2x128xi32, #tpu.memory_space<hbm>>
      tpu.enqueue_dma source(%dma_start3A_56 : memref<119x2x128xi32, #tpu.memory_space<hbm>>) target(%arg6 : memref<119x2x128xi32, #tpu.memory_space<vmem>>) target_semaphore(%arg8 : memref<!tpu.dma_semaphore, #tpu.memory_space<semaphore_mem>>)
    } else {
    }
    %eq3A_8 = arith.constant 1 : i32
    %eq3A_9 = arith.cmpi eq, %arg0, %eq3A_8 : i32
    %convert_element_type3A_10 = arith.extui %eq3A_9 : i1 to i32
    %cond3A_11 = arith.constant 0 : i32
    %cond3A_12 = arith.cmpi ne, %convert_element_type3A_10, %cond3A_11 : i32
    scf.if %cond3A_12 {
      %dma_start3A = arith.constant 0 : i32
      %dma_start3A_52 = arith.constant 0 : i32
      %dma_start3A_53 = arith.constant 0 : i32
      %dma_start3A_54 = tpu.memref_slice %arg6[%dma_start3A, %dma_start3A_52, %dma_start3A_53] : memref<119x2x128xi32, #tpu.memory_space<vmem>> -> memref<39x2x128xi32, #tpu.memory_space<vmem>>
      %dma_start3A_55 = arith.constant 0 : i32
      %dma_start3A_56 = arith.constant 0 : i32
      %dma_start3A_57 = tpu.memref_slice %arg3[%select_n3A, %dma_start3A_55, %dma_start3A_56] : memref<2528x2x128xi32, #tpu.memory_space<hbm>> -> memref<39x2x128xi32, #tpu.memory_space<hbm>>
      %dma_start3A_58 = arith.constant 0 : i32
      %dma_start3A_59 = arith.constant 0 : i32
      %dma_start3A_60 = arith.constant 0 : i32
      %dma_start3A_61 = tpu.memref_slice %arg6[%dma_start3A_58, %dma_start3A_59, %dma_start3A_60] : memref<119x2x128xi32, #tpu.memory_space<vmem>> -> memref<39x2x128xi32, #tpu.memory_space<vmem>>
      %dma_start3A_62 = arith.constant 0 : i32
      %dma_start3A_63 = arith.constant 0 : i32
      %dma_start3A_64 = tpu.memref_slice %arg3[%select_n3A, %dma_start3A_62, %dma_start3A_63] : memref<2528x2x128xi32, #tpu.memory_space<hbm>> -> memref<39x2x128xi32, #tpu.memory_space<hbm>>
      tpu.enqueue_dma source(%dma_start3A_64 : memref<39x2x128xi32, #tpu.memory_space<hbm>>) target(%dma_start3A_61 : memref<39x2x128xi32, #tpu.memory_space<vmem>>) target_semaphore(%arg8 : memref<!tpu.dma_semaphore, #tpu.memory_space<semaphore_mem>>)
    } else {
    }
    %scan3A = arith.constant 0 : i32
    %scan3A_13 = arith.constant 0 : i32
    %scan3A_14 = arith.constant 128 : i32
    %scan3A_15 = arith.addi %scan3A_13, %scan3A_14 : i32
    %scan3A_16 = arith.constant 1 : i32
    scf.for %scan3A_52 = %scan3A_13 to %scan3A_15 step %scan3A_16  : i32 {
      %broadcast_in_dim3A = arith.constant 0.000000e+00 : f32
      %broadcast_in_dim3A_53 = vector.broadcast %broadcast_in_dim3A : f32 to vector<16xf32>
      %swap3A = arith.index_cast %scan3A_52 : i32 to index
      %swap3A_54 = arith.constant 0 : index
      %swap3A_55 = tpu.vector_load %arg7[%swap3A, %swap3A_54] {strides = array<i32>} : memref<128x128xf32, #tpu.memory_space<vmem>>, vector<1x16xf32>,
      %swap3A_56 = vector.shape_cast %swap3A_55 : vector<1x16xf32> to vector<16xf32>
      %swap3A_57 = vector.shape_cast %broadcast_in_dim3A_53 : vector<16xf32> to vector<1x16xf32>
      tpu.vector_store %arg7[%swap3A, %swap3A_54], %swap3A_57 {strides = array<i32>} : memref<128x128xf32, #tpu.memory_space<vmem>>, vector<1x16xf32>,
      %broadcast_in_dim3A_58 = arith.constant 0.000000e+00 : f32
      %broadcast_in_dim3A_59 = vector.broadcast %broadcast_in_dim3A_58 : f32 to vector<16xf32>
      %swap3A_60 = arith.index_cast %scan3A_52 : i32 to index
      %swap3A_61 = arith.constant 16 : index
      %swap3A_62 = tpu.vector_load %arg7[%swap3A_60, %swap3A_61] {strides = array<i32>} : memref<128x128xf32, #tpu.memory_space<vmem>>, vector<1x16xf32>,
      %swap3A_63 = vector.shape_cast %swap3A_62 : vector<1x16xf32> to vector<16xf32>
      %swap3A_64 = vector.shape_cast %broadcast_in_dim3A_59 : vector<16xf32> to vector<1x16xf32>
      tpu.vector_store %arg7[%swap3A_60, %swap3A_61], %swap3A_64 {strides = array<i32>} : memref<128x128xf32, #tpu.memory_space<vmem>>, vector<1x16xf32>,
      %broadcast_in_dim3A_65 = arith.constant 0.000000e+00 : f32
      %broadcast_in_dim3A_66 = vector.broadcast %broadcast_in_dim3A_65 : f32 to vector<16xf32>
      %swap3A_67 = arith.index_cast %scan3A_52 : i32 to index
      %swap3A_68 = arith.constant 32 : index
      %swap3A_69 = tpu.vector_load %arg7[%swap3A_67, %swap3A_68] {strides = array<i32>} : memref<128x128xf32, #tpu.memory_space<vmem>>, vector<1x16xf32>,
      %swap3A_70 = vector.shape_cast %swap3A_69 : vector<1x16xf32> to vector<16xf32>
      %swap3A_71 = vector.shape_cast %broadcast_in_dim3A_66 : vector<16xf32> to vector<1x16xf32>
      tpu.vector_store %arg7[%swap3A_67, %swap3A_68], %swap3A_71 {strides = array<i32>} : memref<128x128xf32, #tpu.memory_space<vmem>>, vector<1x16xf32>,
      %broadcast_in_dim3A_72 = arith.constant 0.000000e+00 : f32
      %broadcast_in_dim3A_73 = vector.broadcast %broadcast_in_dim3A_72 : f32 to vector<16xf32>
      %swap3A_74 = arith.index_cast %scan3A_52 : i32 to index
      %swap3A_75 = arith.constant 48 : index
      %swap3A_76 = tpu.vector_load %arg7[%swap3A_74, %swap3A_75] {strides = array<i32>} : memref<128x128xf32, #tpu.memory_space<vmem>>, vector<1x16xf32>,
      %swap3A_77 = vector.shape_cast %swap3A_76 : vector<1x16xf32> to vector<16xf32>
      %swap3A_78 = vector.shape_cast %broadcast_in_dim3A_73 : vector<16xf32> to vector<1x16xf32>
      tpu.vector_store %arg7[%swap3A_74, %swap3A_75], %swap3A_78 {strides = array<i32>} : memref<128x128xf32, #tpu.memory_space<vmem>>, vector<1x16xf32>,
      %broadcast_in_dim3A_79 = arith.constant 0.000000e+00 : f32
      %broadcast_in_dim3A_80 = vector.broadcast %broadcast_in_dim3A_79 : f32 to vector<16xf32>
      %swap3A_81 = arith.index_cast %scan3A_52 : i32 to index
      %swap3A_82 = arith.constant 64 : index
      %swap3A_83 = tpu.vector_load %arg7[%swap3A_81, %swap3A_82] {strides = array<i32>} : memref<128x128xf32, #tpu.memory_space<vmem>>, vector<1x16xf32>,
      %swap3A_84 = vector.shape_cast %swap3A_83 : vector<1x16xf32> to vector<16xf32>
      %swap3A_85 = vector.shape_cast %broadcast_in_dim3A_80 : vector<16xf32> to vector<1x16xf32>
      tpu.vector_store %arg7[%swap3A_81, %swap3A_82], %swap3A_85 {strides = array<i32>} : memref<128x128xf32, #tpu.memory_space<vmem>>, vector<1x16xf32>,
      %broadcast_in_dim3A_86 = arith.constant 0.000000e+00 : f32
      %broadcast_in_dim3A_87 = vector.broadcast %broadcast_in_dim3A_86 : f32 to vector<16xf32>
      %swap3A_88 = arith.index_cast %scan3A_52 : i32 to index
      %swap3A_89 = arith.constant 80 : index
      %swap3A_90 = tpu.vector_load %arg7[%swap3A_88, %swap3A_89] {strides = array<i32>} : memref<128x128xf32, #tpu.memory_space<vmem>>, vector<1x16xf32>,
      %swap3A_91 = vector.shape_cast %swap3A_90 : vector<1x16xf32> to vector<16xf32>
      %swap3A_92 = vector.shape_cast %broadcast_in_dim3A_87 : vector<16xf32> to vector<1x16xf32>
      tpu.vector_store %arg7[%swap3A_88, %swap3A_89], %swap3A_92 {strides = array<i32>} : memref<128x128xf32, #tpu.memory_space<vmem>>, vector<1x16xf32>,
      %broadcast_in_dim3A_93 = arith.constant 0.000000e+00 : f32
      %broadcast_in_dim3A_94 = vector.broadcast %broadcast_in_dim3A_93 : f32 to vector<16xf32>
      %swap3A_95 = arith.index_cast %scan3A_52 : i32 to index
      %swap3A_96 = arith.constant 96 : index
      %swap3A_97 = tpu.vector_load %arg7[%swap3A_95, %swap3A_96] {strides = array<i32>} : memref<128x128xf32, #tpu.memory_space<vmem>>, vector<1x16xf32>,
      %swap3A_98 = vector.shape_cast %swap3A_97 : vector<1x16xf32> to vector<16xf32>
      %swap3A_99 = vector.shape_cast %broadcast_in_dim3A_94 : vector<16xf32> to vector<1x16xf32>
      tpu.vector_store %arg7[%swap3A_95, %swap3A_96], %swap3A_99 {strides = array<i32>} : memref<128x128xf32, #tpu.memory_space<vmem>>, vector<1x16xf32>,
      %broadcast_in_dim3A_100 = arith.constant 0.000000e+00 : f32
      %broadcast_in_dim3A_101 = vector.broadcast %broadcast_in_dim3A_100 : f32 to vector<16xf32>
      %swap3A_102 = arith.index_cast %scan3A_52 : i32 to index
      %swap3A_103 = arith.constant 112 : index
      %swap3A_104 = tpu.vector_load %arg7[%swap3A_102, %swap3A_103] {strides = array<i32>} : memref<128x128xf32, #tpu.memory_space<vmem>>, vector<1x16xf32>,
      %swap3A_105 = vector.shape_cast %swap3A_104 : vector<1x16xf32> to vector<16xf32>
      %swap3A_106 = vector.shape_cast %broadcast_in_dim3A_101 : vector<16xf32> to vector<1x16xf32>
      tpu.vector_store %arg7[%swap3A_102, %swap3A_103], %swap3A_106 {strides = array<i32>} : memref<128x128xf32, #tpu.memory_space<vmem>>, vector<1x16xf32>,
    }
    %scan3A_17 = arith.constant 128 : i32
    %mul3A_18 = arith.constant 640 : i32
    %mul3A_19 = arith.muli %arg1, %mul3A_18 : i32
    %add3A_20 = arith.constant 0 : i32
    %add3A_21 = arith.addi %mul3A_19, %add3A_20 : i32
    "tpu.region"() ({
      %run_scoped3A = tpu.sem_alloc : memref<!tpu.dma_semaphore, #tpu.memory_space<semaphore_mem>>
      %dma_start3A = arith.constant 0 : i32
      %dma_start3A_52 = tpu.memref_slice %arg5[%add3A_21, %dma_start3A] : memref<10240x128xf32, #tpu.memory_space<vmem_shared>> -> memref<128x128xf32, #tpu.memory_space<vmem_shared>>
      %dma_start3A_53 = arith.constant 0 : i32
      %dma_start3A_54 = tpu.memref_slice %arg5[%add3A_21, %dma_start3A_53] : memref<10240x128xf32, #tpu.memory_space<vmem_shared>> -> memref<128x128xf32, #tpu.memory_space<vmem_shared>>
      tpu.enqueue_dma source(%arg7 : memref<128x128xf32, #tpu.memory_space<vmem>>) target(%dma_start3A_54 : memref<128x128xf32, #tpu.memory_space<vmem_shared>>) target_semaphore(%run_scoped3A : memref<!tpu.dma_semaphore, #tpu.memory_space<semaphore_mem>>)
      %dma_wait3A = arith.constant 0 : i32
      %dma_wait3A_55 = tpu.memref_slice %arg5[%add3A_21, %dma_wait3A] : memref<10240x128xf32, #tpu.memory_space<vmem_shared>> -> memref<128x128xf32, #tpu.memory_space<vmem_shared>>
      %dma_wait3A_56 = arith.constant 0 : i32
      %dma_wait3A_57 = tpu.memref_slice %arg5[%add3A_21, %dma_wait3A_56] : memref<10240x128xf32, #tpu.memory_space<vmem_shared>> -> memref<128x128xf32, #tpu.memory_space<vmem_shared>>
      tpu.wait_dma2 semaphore(%run_scoped3A : memref<!tpu.dma_semaphore, #tpu.memory_space<semaphore_mem>>) src(%arg7 : memref<128x128xf32, #tpu.memory_space<vmem>>) dst(%dma_wait3A_57 : memref<128x128xf32, #tpu.memory_space<vmem_shared>>)
      tpu.yield
    }) : () -> ()
    %add3A_22 = arith.constant 128 : i32
    %add3A_23 = arith.addi %mul3A_19, %add3A_22 : i32
    "tpu.region"() ({
      %run_scoped3A = tpu.sem_alloc : memref<!tpu.dma_semaphore, #tpu.memory_space<semaphore_mem>>
      %dma_start3A = arith.constant 0 : i32
      %dma_start3A_52 = tpu.memref_slice %arg5[%add3A_23, %dma_start3A] : memref<10240x128xf32, #tpu.memory_space<vmem_shared>> -> memref<128x128xf32, #tpu.memory_space<vmem_shared>>
      %dma_start3A_53 = arith.constant 0 : i32
      %dma_start3A_54 = tpu.memref_slice %arg5[%add3A_23, %dma_start3A_53] : memref<10240x128xf32, #tpu.memory_space<vmem_shared>> -> memref<128x128xf32, #tpu.memory_space<vmem_shared>>
      tpu.enqueue_dma source(%arg7 : memref<128x128xf32, #tpu.memory_space<vmem>>) target(%dma_start3A_54 : memref<128x128xf32, #tpu.memory_space<vmem_shared>>) target_semaphore(%run_scoped3A : memref<!tpu.dma_semaphore, #tpu.memory_space<semaphore_mem>>)
      %dma_wait3A = arith.constant 0 : i32
      %dma_wait3A_55 = tpu.memref_slice %arg5[%add3A_23, %dma_wait3A] : memref<10240x128xf32, #tpu.memory_space<vmem_shared>> -> memref<128x128xf32, #tpu.memory_space<vmem_shared>>
      %dma_wait3A_56 = arith.constant 0 : i32
      %dma_wait3A_57 = tpu.memref_slice %arg5[%add3A_23, %dma_wait3A_56] : memref<10240x128xf32, #tpu.memory_space<vmem_shared>> -> memref<128x128xf32, #tpu.memory_space<vmem_shared>>
      tpu.wait_dma2 semaphore(%run_scoped3A : memref<!tpu.dma_semaphore, #tpu.memory_space<semaphore_mem>>) src(%arg7 : memref<128x128xf32, #tpu.memory_space<vmem>>) dst(%dma_wait3A_57 : memref<128x128xf32, #tpu.memory_space<vmem_shared>>)
      tpu.yield
    }) : () -> ()
    %add3A_24 = arith.constant 256 : i32
    %add3A_25 = arith.addi %mul3A_19, %add3A_24 : i32
    "tpu.region"() ({
      %run_scoped3A = tpu.sem_alloc : memref<!tpu.dma_semaphore, #tpu.memory_space<semaphore_mem>>
      %dma_start3A = arith.constant 0 : i32
      %dma_start3A_52 = tpu.memref_slice %arg5[%add3A_25, %dma_start3A] : memref<10240x128xf32, #tpu.memory_space<vmem_shared>> -> memref<128x128xf32, #tpu.memory_space<vmem_shared>>
      %dma_start3A_53 = arith.constant 0 : i32
      %dma_start3A_54 = tpu.memref_slice %arg5[%add3A_25, %dma_start3A_53] : memref<10240x128xf32, #tpu.memory_space<vmem_shared>> -> memref<128x128xf32, #tpu.memory_space<vmem_shared>>
      tpu.enqueue_dma source(%arg7 : memref<128x128xf32, #tpu.memory_space<vmem>>) target(%dma_start3A_54 : memref<128x128xf32, #tpu.memory_space<vmem_shared>>) target_semaphore(%run_scoped3A : memref<!tpu.dma_semaphore, #tpu.memory_space<semaphore_mem>>)
      %dma_wait3A = arith.constant 0 : i32
      %dma_wait3A_55 = tpu.memref_slice %arg5[%add3A_25, %dma_wait3A] : memref<10240x128xf32, #tpu.memory_space<vmem_shared>> -> memref<128x128xf32, #tpu.memory_space<vmem_shared>>
      %dma_wait3A_56 = arith.constant 0 : i32
      %dma_wait3A_57 = tpu.memref_slice %arg5[%add3A_25, %dma_wait3A_56] : memref<10240x128xf32, #tpu.memory_space<vmem_shared>> -> memref<128x128xf32, #tpu.memory_space<vmem_shared>>
      tpu.wait_dma2 semaphore(%run_scoped3A : memref<!tpu.dma_semaphore, #tpu.memory_space<semaphore_mem>>) src(%arg7 : memref<128x128xf32, #tpu.memory_space<vmem>>) dst(%dma_wait3A_57 : memref<128x128xf32, #tpu.memory_space<vmem_shared>>)
      tpu.yield
    }) : () -> ()
    %add3A_26 = arith.constant 384 : i32
    %add3A_27 = arith.addi %mul3A_19, %add3A_26 : i32
    "tpu.region"() ({
      %run_scoped3A = tpu.sem_alloc : memref<!tpu.dma_semaphore, #tpu.memory_space<semaphore_mem>>
      %dma_start3A = arith.constant 0 : i32
      %dma_start3A_52 = tpu.memref_slice %arg5[%add3A_27, %dma_start3A] : memref<10240x128xf32, #tpu.memory_space<vmem_shared>> -> memref<128x128xf32, #tpu.memory_space<vmem_shared>>
      %dma_start3A_53 = arith.constant 0 : i32
      %dma_start3A_54 = tpu.memref_slice %arg5[%add3A_27, %dma_start3A_53] : memref<10240x128xf32, #tpu.memory_space<vmem_shared>> -> memref<128x128xf32, #tpu.memory_space<vmem_shared>>
      tpu.enqueue_dma source(%arg7 : memref<128x128xf32, #tpu.memory_space<vmem>>) target(%dma_start3A_54 : memref<128x128xf32, #tpu.memory_space<vmem_shared>>) target_semaphore(%run_scoped3A : memref<!tpu.dma_semaphore, #tpu.memory_space<semaphore_mem>>)
      %dma_wait3A = arith.constant 0 : i32
      %dma_wait3A_55 = tpu.memref_slice %arg5[%add3A_27, %dma_wait3A] : memref<10240x128xf32, #tpu.memory_space<vmem_shared>> -> memref<128x128xf32, #tpu.memory_space<vmem_shared>>
      %dma_wait3A_56 = arith.constant 0 : i32
      %dma_wait3A_57 = tpu.memref_slice %arg5[%add3A_27, %dma_wait3A_56] : memref<10240x128xf32, #tpu.memory_space<vmem_shared>> -> memref<128x128xf32, #tpu.memory_space<vmem_shared>>
      tpu.wait_dma2 semaphore(%run_scoped3A : memref<!tpu.dma_semaphore, #tpu.memory_space<semaphore_mem>>) src(%arg7 : memref<128x128xf32, #tpu.memory_space<vmem>>) dst(%dma_wait3A_57 : memref<128x128xf32, #tpu.memory_space<vmem_shared>>)
      tpu.yield
    }) : () -> ()
    %add3A_28 = arith.constant 512 : i32
    %add3A_29 = arith.addi %mul3A_19, %add3A_28 : i32
    "tpu.region"() ({
      %run_scoped3A = tpu.sem_alloc : memref<!tpu.dma_semaphore, #tpu.memory_space<semaphore_mem>>
      %dma_start3A = arith.constant 0 : i32
      %dma_start3A_52 = tpu.memref_slice %arg5[%add3A_29, %dma_start3A] : memref<10240x128xf32, #tpu.memory_space<vmem_shared>> -> memref<128x128xf32, #tpu.memory_space<vmem_shared>>
      %dma_start3A_53 = arith.constant 0 : i32
      %dma_start3A_54 = tpu.memref_slice %arg5[%add3A_29, %dma_start3A_53] : memref<10240x128xf32, #tpu.memory_space<vmem_shared>> -> memref<128x128xf32, #tpu.memory_space<vmem_shared>>
      tpu.enqueue_dma source(%arg7 : memref<128x128xf32, #tpu.memory_space<vmem>>) target(%dma_start3A_54 : memref<128x128xf32, #tpu.memory_space<vmem_shared>>) target_semaphore(%run_scoped3A : memref<!tpu.dma_semaphore, #tpu.memory_space<semaphore_mem>>)
      %dma_wait3A = arith.constant 0 : i32
      %dma_wait3A_55 = tpu.memref_slice %arg5[%add3A_29, %dma_wait3A] : memref<10240x128xf32, #tpu.memory_space<vmem_shared>> -> memref<128x128xf32, #tpu.memory_space<vmem_shared>>
      %dma_wait3A_56 = arith.constant 0 : i32
      %dma_wait3A_57 = tpu.memref_slice %arg5[%add3A_29, %dma_wait3A_56] : memref<10240x128xf32, #tpu.memory_space<vmem_shared>> -> memref<128x128xf32, #tpu.memory_space<vmem_shared>>
      tpu.wait_dma2 semaphore(%run_scoped3A : memref<!tpu.dma_semaphore, #tpu.memory_space<semaphore_mem>>) src(%arg7 : memref<128x128xf32, #tpu.memory_space<vmem>>) dst(%dma_wait3A_57 : memref<128x128xf32, #tpu.memory_space<vmem_shared>>)
      tpu.yield
    }) : () -> ()
    %barrier3A = arith.constant 0 : index
    tpu.barrier barrier_id(%barrier3A)
    %eq3A_30 = arith.constant 0 : i32
    %eq3A_31 = arith.cmpi eq, %arg0, %eq3A_30 : i32
    %convert_element_type3A_32 = arith.extui %eq3A_31 : i1 to i32
    %cond3A_33 = arith.constant 0 : i32
    %cond3A_34 = arith.cmpi ne, %convert_element_type3A_32, %cond3A_33 : i32
    scf.if %cond3A_34 {
      %dma_wait3A = arith.constant 0 : i32
      %dma_wait3A_52 = arith.constant 0 : i32
      %dma_wait3A_53 = tpu.memref_slice %arg3[%select_n3A, %dma_wait3A, %dma_wait3A_52] : memref<2528x2x128xi32, #tpu.memory_space<hbm>> -> memref<119x2x128xi32, #tpu.memory_space<hbm>>
      %dma_wait3A_54 = arith.constant 0 : i32
      %dma_wait3A_55 = arith.constant 0 : i32
      %dma_wait3A_56 = tpu.memref_slice %arg3[%select_n3A, %dma_wait3A_54, %dma_wait3A_55] : memref<2528x2x128xi32, #tpu.memory_space<hbm>> -> memref<119x2x128xi32, #tpu.memory_space<hbm>>
      tpu.wait_dma2 semaphore(%arg8 : memref<!tpu.dma_semaphore, #tpu.memory_space<semaphore_mem>>) src(%dma_wait3A_56 : memref<119x2x128xi32, #tpu.memory_space<hbm>>) dst(%arg6 : memref<119x2x128xi32, #tpu.memory_space<vmem>>)
      %scan3A_57 = arith.constant 0 : i32
      %scan3A_58 = arith.constant 0 : i32
      %scan3A_59 = arith.constant 119 : i32
      %scan3A_60 = arith.addi %scan3A_58, %scan3A_59 : i32
      %scan3A_61 = arith.constant 1 : i32
      scf.for %scan3A_63 = %scan3A_58 to %scan3A_60 step %scan3A_61  : i32 {
        %dma_start3A = arith.constant 1 : i32
        %dma_start3A_64 = arith.constant 0 : i32
        %dma_start3A_65 = tpu.memref_slice %arg6[%scan3A_63, %dma_start3A, %dma_start3A_64] : memref<119x2x128xi32, #tpu.memory_space<vmem>> -> memref<1x1x128xi32, #tpu.memory_space<vmem>>
        %dma_start3A_66 = tpu.memref_squeeze %dma_start3A_65 : memref<1x1x128xi32, #tpu.memory_space<vmem>> -> memref<128xi32, #tpu.memory_space<vmem>>
        %dma_start3A_67 = arith.constant 0 : i32
        %dma_start3A_68 = arith.constant 0 : i32
        %dma_start3A_69 = tpu.memref_slice %arg2[%dma_start3A_67, %dma_start3A_68] : memref<10000x128xf32, #tpu.memory_space<hbm>> -> memref<10000x128xf32, #tpu.memory_space<hbm>>
        tpu.enqueue_indirect_dma source(%dma_start3A_69 : memref<10000x128xf32, #tpu.memory_space<hbm>>) target(%arg7 : memref<128x128xf32, #tpu.memory_space<vmem>>) offsets(%dma_start3A_66 : memref<128xi32, #tpu.memory_space<vmem>>) semaphore(%arg8 : memref<!tpu.dma_semaphore, #tpu.memory_space<semaphore_mem>>)
        %dma_wait3A_70 = arith.constant 1 : i32
        %dma_wait3A_71 = arith.constant 0 : i32
        %dma_wait3A_72 = tpu.memref_slice %arg6[%scan3A_63, %dma_wait3A_70, %dma_wait3A_71] : memref<119x2x128xi32, #tpu.memory_space<vmem>> -> memref<1x1x128xi32, #tpu.memory_space<vmem>>
        %dma_wait3A_73 = tpu.memref_squeeze %dma_wait3A_72 : memref<1x1x128xi32, #tpu.memory_space<vmem>> -> memref<128xi32, #tpu.memory_space<vmem>>
        %dma_wait3A_74 = arith.constant 0 : i32
        %dma_wait3A_75 = arith.constant 0 : i32
        %dma_wait3A_76 = tpu.memref_slice %arg2[%dma_wait3A_74, %dma_wait3A_75] : memref<10000x128xf32, #tpu.memory_space<hbm>> -> memref<10000x128xf32, #tpu.memory_space<hbm>>
        tpu.wait_indirect_dma semaphore(%arg8 : memref<!tpu.dma_semaphore, #tpu.memory_space<semaphore_mem>>) src(%dma_wait3A_76 : memref<10000x128xf32, #tpu.memory_space<hbm>>) dst(%arg7 : memref<128x128xf32, #tpu.memory_space<vmem>>)
        %run_scoped3A = arith.constant 0 : i32
        "tpu.region"() ({
          %run_scoped3A_77 = tpu.sem_alloc : memref<!tpu.dma_semaphore, #tpu.memory_space<semaphore_mem>>
          %dma_start3A_78 = arith.constant 0 : i32
          %dma_start3A_79 = tpu.memref_slice %arg6[%scan3A_63, %run_scoped3A, %dma_start3A_78] : memref<119x2x128xi32, #tpu.memory_space<vmem>> -> memref<1x1x128xi32, #tpu.memory_space<vmem>>
          %dma_start3A_80 = tpu.memref_squeeze %dma_start3A_79 : memref<1x1x128xi32, #tpu.memory_space<vmem>> -> memref<128xi32, #tpu.memory_space<vmem>>
          %dma_start3A_81 = arith.constant 0 : i32
          %dma_start3A_82 = arith.constant 0 : i32
          %dma_start3A_83 = tpu.memref_slice %arg5[%dma_start3A_81, %dma_start3A_82] : memref<10240x128xf32, #tpu.memory_space<vmem_shared>> -> memref<10240x128xf32, #tpu.memory_space<vmem_shared>>
          tpu.enqueue_indirect_dma source(%arg7 : memref<128x128xf32, #tpu.memory_space<vmem>>) target(%dma_start3A_83 : memref<10240x128xf32, #tpu.memory_space<vmem_shared>>) offsets(%dma_start3A_80 : memref<128xi32, #tpu.memory_space<vmem>>) semaphore(%run_scoped3A_77 : memref<!tpu.dma_semaphore, #tpu.memory_space<semaphore_mem>>) {add = true}
          %dma_wait3A_84 = arith.constant 0 : i32
          %dma_wait3A_85 = tpu.memref_slice %arg6[%scan3A_63, %run_scoped3A, %dma_wait3A_84] : memref<119x2x128xi32, #tpu.memory_space<vmem>> -> memref<1x1x128xi32, #tpu.memory_space<vmem>>
          %dma_wait3A_86 = tpu.memref_squeeze %dma_wait3A_85 : memref<1x1x128xi32, #tpu.memory_space<vmem>> -> memref<128xi32, #tpu.memory_space<vmem>>
          %dma_wait3A_87 = arith.constant 0 : i32
          %dma_wait3A_88 = arith.constant 0 : i32
          %dma_wait3A_89 = tpu.memref_slice %arg5[%dma_wait3A_87, %dma_wait3A_88] : memref<10240x128xf32, #tpu.memory_space<vmem_shared>> -> memref<10240x128xf32, #tpu.memory_space<vmem_shared>>
          tpu.wait_indirect_dma semaphore(%run_scoped3A_77 : memref<!tpu.dma_semaphore, #tpu.memory_space<semaphore_mem>>) src(%arg7 : memref<128x128xf32, #tpu.memory_space<vmem>>) dst(%dma_wait3A_89 : memref<10240x128xf32, #tpu.memory_space<vmem_shared>>)
          tpu.yield
        }) : () -> ()
      }
      %scan3A_62 = arith.constant 119 : i32
    } else {
    }
    %eq3A_35 = arith.constant 1 : i32
    %eq3A_36 = arith.cmpi eq, %arg0, %eq3A_35 : i32
    %convert_element_type3A_37 = arith.extui %eq3A_36 : i1 to i32
    %cond3A_38 = arith.constant 0 : i32
    %cond3A_39 = arith.cmpi ne, %convert_element_type3A_37, %cond3A_38 : i32
    scf.if %cond3A_39 {
      %dma_wait3A = arith.constant 0 : i32
      %dma_wait3A_52 = arith.constant 0 : i32
      %dma_wait3A_53 = arith.constant 0 : i32
      %dma_wait3A_54 = tpu.memref_slice %arg6[%dma_wait3A, %dma_wait3A_52, %dma_wait3A_53] : memref<119x2x128xi32, #tpu.memory_space<vmem>> -> memref<39x2x128xi32, #tpu.memory_space<vmem>>
      %dma_wait3A_55 = arith.constant 0 : i32
      %dma_wait3A_56 = arith.constant 0 : i32
      %dma_wait3A_57 = tpu.memref_slice %arg3[%select_n3A, %dma_wait3A_55, %dma_wait3A_56] : memref<2528x2x128xi32, #tpu.memory_space<hbm>> -> memref<39x2x128xi32, #tpu.memory_space<hbm>>
      %dma_wait3A_58 = arith.constant 0 : i32
      %dma_wait3A_59 = arith.constant 0 : i32
      %dma_wait3A_60 = arith.constant 0 : i32
      %dma_wait3A_61 = tpu.memref_slice %arg6[%dma_wait3A_58, %dma_wait3A_59, %dma_wait3A_60] : memref<119x2x128xi32, #tpu.memory_space<vmem>> -> memref<39x2x128xi32, #tpu.memory_space<vmem>>
      %dma_wait3A_62 = arith.constant 0 : i32
      %dma_wait3A_63 = arith.constant 0 : i32
      %dma_wait3A_64 = tpu.memref_slice %arg3[%select_n3A, %dma_wait3A_62, %dma_wait3A_63] : memref<2528x2x128xi32, #tpu.memory_space<hbm>> -> memref<39x2x128xi32, #tpu.memory_space<hbm>>
      tpu.wait_dma2 semaphore(%arg8 : memref<!tpu.dma_semaphore, #tpu.memory_space<semaphore_mem>>) src(%dma_wait3A_64 : memref<39x2x128xi32, #tpu.memory_space<hbm>>) dst(%dma_wait3A_61 : memref<39x2x128xi32, #tpu.memory_space<vmem>>)
      %scan3A_65 = arith.constant 0 : i32
      %scan3A_66 = arith.constant 0 : i32
      %scan3A_67 = arith.constant 39 : i32
      %scan3A_68 = arith.addi %scan3A_66, %scan3A_67 : i32
      %scan3A_69 = arith.constant 1 : i32
      scf.for %scan3A_71 = %scan3A_66 to %scan3A_68 step %scan3A_69  : i32 {
        %dma_start3A = arith.constant 1 : i32
        %dma_start3A_72 = arith.constant 0 : i32
        %dma_start3A_73 = tpu.memref_slice %arg6[%scan3A_71, %dma_start3A, %dma_start3A_72] : memref<119x2x128xi32, #tpu.memory_space<vmem>> -> memref<1x1x128xi32, #tpu.memory_space<vmem>>
        %dma_start3A_74 = tpu.memref_squeeze %dma_start3A_73 : memref<1x1x128xi32, #tpu.memory_space<vmem>> -> memref<128xi32, #tpu.memory_space<vmem>>
        %dma_start3A_75 = arith.constant 0 : i32
        %dma_start3A_76 = arith.constant 0 : i32
        %dma_start3A_77 = tpu.memref_slice %arg2[%dma_start3A_75, %dma_start3A_76] : memref<10000x128xf32, #tpu.memory_space<hbm>> -> memref<10000x128xf32, #tpu.memory_space<hbm>>
        tpu.enqueue_indirect_dma source(%dma_start3A_77 : memref<10000x128xf32, #tpu.memory_space<hbm>>) target(%arg7 : memref<128x128xf32, #tpu.memory_space<vmem>>) offsets(%dma_start3A_74 : memref<128xi32, #tpu.memory_space<vmem>>) semaphore(%arg8 : memref<!tpu.dma_semaphore, #tpu.memory_space<semaphore_mem>>)
        %dma_wait3A_78 = arith.constant 1 : i32
        %dma_wait3A_79 = arith.constant 0 : i32
        %dma_wait3A_80 = tpu.memref_slice %arg6[%scan3A_71, %dma_wait3A_78, %dma_wait3A_79] : memref<119x2x128xi32, #tpu.memory_space<vmem>> -> memref<1x1x128xi32, #tpu.memory_space<vmem>>
        %dma_wait3A_81 = tpu.memref_squeeze %dma_wait3A_80 : memref<1x1x128xi32, #tpu.memory_space<vmem>> -> memref<128xi32, #tpu.memory_space<vmem>>
        %dma_wait3A_82 = arith.constant 0 : i32
        %dma_wait3A_83 = arith.constant 0 : i32
        %dma_wait3A_84 = tpu.memref_slice %arg2[%dma_wait3A_82, %dma_wait3A_83] : memref<10000x128xf32, #tpu.memory_space<hbm>> -> memref<10000x128xf32, #tpu.memory_space<hbm>>
        tpu.wait_indirect_dma semaphore(%arg8 : memref<!tpu.dma_semaphore, #tpu.memory_space<semaphore_mem>>) src(%dma_wait3A_84 : memref<10000x128xf32, #tpu.memory_space<hbm>>) dst(%arg7 : memref<128x128xf32, #tpu.memory_space<vmem>>)
        %run_scoped3A = arith.constant 0 : i32
        "tpu.region"() ({
          %run_scoped3A_85 = tpu.sem_alloc : memref<!tpu.dma_semaphore, #tpu.memory_space<semaphore_mem>>
          %dma_start3A_86 = arith.constant 0 : i32
          %dma_start3A_87 = tpu.memref_slice %arg6[%scan3A_71, %run_scoped3A, %dma_start3A_86] : memref<119x2x128xi32, #tpu.memory_space<vmem>> -> memref<1x1x128xi32, #tpu.memory_space<vmem>>
          %dma_start3A_88 = tpu.memref_squeeze %dma_start3A_87 : memref<1x1x128xi32, #tpu.memory_space<vmem>> -> memref<128xi32, #tpu.memory_space<vmem>>
          %dma_start3A_89 = arith.constant 0 : i32
          %dma_start3A_90 = arith.constant 0 : i32
          %dma_start3A_91 = tpu.memref_slice %arg5[%dma_start3A_89, %dma_start3A_90] : memref<10240x128xf32, #tpu.memory_space<vmem_shared>> -> memref<10240x128xf32, #tpu.memory_space<vmem_shared>>
          tpu.enqueue_indirect_dma source(%arg7 : memref<128x128xf32, #tpu.memory_space<vmem>>) target(%dma_start3A_91 : memref<10240x128xf32, #tpu.memory_space<vmem_shared>>) offsets(%dma_start3A_88 : memref<128xi32, #tpu.memory_space<vmem>>) semaphore(%run_scoped3A_85 : memref<!tpu.dma_semaphore, #tpu.memory_space<semaphore_mem>>) {add = true}
          %dma_wait3A_92 = arith.constant 0 : i32
          %dma_wait3A_93 = tpu.memref_slice %arg6[%scan3A_71, %run_scoped3A, %dma_wait3A_92] : memref<119x2x128xi32, #tpu.memory_space<vmem>> -> memref<1x1x128xi32, #tpu.memory_space<vmem>>
          %dma_wait3A_94 = tpu.memref_squeeze %dma_wait3A_93 : memref<1x1x128xi32, #tpu.memory_space<vmem>> -> memref<128xi32, #tpu.memory_space<vmem>>
          %dma_wait3A_95 = arith.constant 0 : i32
          %dma_wait3A_96 = arith.constant 0 : i32
          %dma_wait3A_97 = tpu.memref_slice %arg5[%dma_wait3A_95, %dma_wait3A_96] : memref<10240x128xf32, #tpu.memory_space<vmem_shared>> -> memref<10240x128xf32, #tpu.memory_space<vmem_shared>>
          tpu.wait_indirect_dma semaphore(%run_scoped3A_85 : memref<!tpu.dma_semaphore, #tpu.memory_space<semaphore_mem>>) src(%arg7 : memref<128x128xf32, #tpu.memory_space<vmem>>) dst(%dma_wait3A_97 : memref<10240x128xf32, #tpu.memory_space<vmem_shared>>)
          tpu.yield
        }) : () -> ()
      }
      %scan3A_70 = arith.constant 39 : i32
    } else {
    }
    %barrier3A_40 = arith.constant 0 : index
    tpu.barrier barrier_id(%barrier3A_40)
    %mul3A_41 = arith.constant 640 : i32
    %mul3A_42 = arith.muli %arg1, %mul3A_41 : i32
    %lt3A = arith.constant 15 : i32
    %lt3A_43 = arith.cmpi slt, %arg1, %lt3A : i32
    %convert_element_type3A_44 = arith.extui %lt3A_43 : i1 to i32
    %cond3A_45 = arith.constant 0 : i32
    %cond3A_46 = arith.cmpi ne, %convert_element_type3A_44, %cond3A_45 : i32
    scf.if %cond3A_46 {
      "tpu.region"() ({
        %run_scoped3A = tpu.sem_alloc : memref<!tpu.dma_semaphore, #tpu.memory_space<semaphore_mem>>
        %dma_start3A = arith.constant 0 : i32
        %dma_start3A_52 = tpu.memref_slice %arg4[%arg0, %mul3A_42, %dma_start3A] : memref<2x10000x128xf32, #tpu.memory_space<hbm>> -> memref<1x640x128xf32, #tpu.memory_space<hbm>>
        %dma_start3A_53 = tpu.memref_squeeze %dma_start3A_52 : memref<1x640x128xf32, #tpu.memory_space<hbm>> -> memref<640x128xf32, #tpu.memory_space<hbm>>
        %dma_start3A_54 = arith.constant 0 : i32
        %dma_start3A_55 = tpu.memref_slice %arg5[%mul3A_42, %dma_start3A_54] : memref<10240x128xf32, #tpu.memory_space<vmem_shared>> -> memref<640x128xf32, #tpu.memory_space<vmem_shared>>
        tpu.enqueue_dma source(%dma_start3A_55 : memref<640x128xf32, #tpu.memory_space<vmem_shared>>) target(%dma_start3A_53 : memref<640x128xf32, #tpu.memory_space<hbm>>) target_semaphore(%run_scoped3A : memref<!tpu.dma_semaphore, #tpu.memory_space<semaphore_mem>>)
        %dma_wait3A = arith.constant 0 : i32
        %dma_wait3A_56 = tpu.memref_slice %arg4[%arg0, %mul3A_42, %dma_wait3A] : memref<2x10000x128xf32, #tpu.memory_space<hbm>> -> memref<1x640x128xf32, #tpu.memory_space<hbm>>
        %dma_wait3A_57 = tpu.memref_squeeze %dma_wait3A_56 : memref<1x640x128xf32, #tpu.memory_space<hbm>> -> memref<640x128xf32, #tpu.memory_space<hbm>>
        %dma_wait3A_58 = arith.constant 0 : i32
        %dma_wait3A_59 = tpu.memref_slice %arg5[%mul3A_42, %dma_wait3A_58] : memref<10240x128xf32, #tpu.memory_space<vmem_shared>> -> memref<640x128xf32, #tpu.memory_space<vmem_shared>>
        tpu.wait_dma2 semaphore(%run_scoped3A : memref<!tpu.dma_semaphore, #tpu.memory_space<semaphore_mem>>) src(%dma_wait3A_59 : memref<640x128xf32, #tpu.memory_space<vmem_shared>>) dst(%dma_wait3A_57 : memref<640x128xf32, #tpu.memory_space<hbm>>)
        tpu.yield
      }) : () -> ()
    } else {
    }
    %eq3A_47 = arith.constant 15 : i32
    %eq3A_48 = arith.cmpi eq, %arg1, %eq3A_47 : i32
    %convert_element_type3A_49 = arith.extui %eq3A_48 : i1 to i32
    %cond3A_50 = arith.constant 0 : i32
    %cond3A_51 = arith.cmpi ne, %convert_element_type3A_49, %cond3A_50 : i32
    scf.if %cond3A_51 {
      "tpu.region"() ({
        %run_scoped3A = tpu.sem_alloc : memref<!tpu.dma_semaphore, #tpu.memory_space<semaphore_mem>>
        %dma_start3A = arith.constant 0 : i32
        %dma_start3A_52 = tpu.memref_slice %arg4[%arg0, %mul3A_42, %dma_start3A] : memref<2x10000x128xf32, #tpu.memory_space<hbm>> -> memref<1x400x128xf32, #tpu.memory_space<hbm>>
        %dma_start3A_53 = tpu.memref_squeeze %dma_start3A_52 : memref<1x400x128xf32, #tpu.memory_space<hbm>> -> memref<400x128xf32, #tpu.memory_space<hbm>>
        %dma_start3A_54 = arith.constant 0 : i32
        %dma_start3A_55 = tpu.memref_slice %arg5[%mul3A_42, %dma_start3A_54] : memref<10240x128xf32, #tpu.memory_space<vmem_shared>> -> memref<400x128xf32, #tpu.memory_space<vmem_shared>>
        tpu.enqueue_dma source(%dma_start3A_55 : memref<400x128xf32, #tpu.memory_space<vmem_shared>>) target(%dma_start3A_53 : memref<400x128xf32, #tpu.memory_space<hbm>>) target_semaphore(%run_scoped3A : memref<!tpu.dma_semaphore, #tpu.memory_space<semaphore_mem>>)
        %dma_wait3A = arith.constant 0 : i32
        %dma_wait3A_56 = tpu.memref_slice %arg4[%arg0, %mul3A_42, %dma_wait3A] : memref<2x10000x128xf32, #tpu.memory_space<hbm>> -> memref<1x400x128xf32, #tpu.memory_space<hbm>>
        %dma_wait3A_57 = tpu.memref_squeeze %dma_wait3A_56 : memref<1x400x128xf32, #tpu.memory_space<hbm>> -> memref<400x128xf32, #tpu.memory_space<hbm>>
        %dma_wait3A_58 = arith.constant 0 : i32
        %dma_wait3A_59 = tpu.memref_slice %arg5[%mul3A_42, %dma_wait3A_58] : memref<10240x128xf32, #tpu.memory_space<vmem_shared>> -> memref<400x128xf32, #tpu.memory_space<vmem_shared>>
        tpu.wait_dma2 semaphore(%run_scoped3A : memref<!tpu.dma_semaphore, #tpu.memory_space<semaphore_mem>>) src(%dma_wait3A_59 : memref<400x128xf32, #tpu.memory_space<vmem_shared>>) dst(%dma_wait3A_57 : memref<400x128xf32, #tpu.memory_space<hbm>>)
        tpu.yield
      }) : () -> ()
    } else {
    }
    return
  }
}

module attributes {stable_mosaic.version = 14 : i64} {
  func.func @_matmul_body(%arg0: i32, %arg1: memref<2000x128xf32, #tpu.memory_space<vmem>>, %arg2: memref<128x128xf32, #tpu.memory_space<vmem>>, %arg3: memref<2000x128xf32, #tpu.memory_space<vmem>>) attributes {dimension_semantics = [#tpu.dimension_semantics<arbitrary>], iteration_bounds = array<i64: 5>, scalar_prefetch = 0 : i64, scratch_operands = 0 : i64, tpu.core_type = #tpu.core_type<tc>, window_params = [{transform_indices = @transform_0, window_bounds = array<i64: 2000, 128>}, {pipeline_mode = #tpu.pipeline_mode<synchronous>, transform_indices = @transform_1, window_bounds = array<i64: 128, 128>}, {transform_indices = @transform_2, window_bounds = array<i64: 2000, 128>}]} {
    %get3A = arith.constant 0 : index
    %get3A_0 = arith.constant 0 : index
    %get3A_1 = vector.load %arg1[%get3A, %get3A_0] : memref<2000x128xf32, #tpu.memory_space<vmem>>, vector<2000x128xf32>
    %get3A_2 = arith.constant 0 : index
    %get3A_3 = arith.constant 0 : index
    %get3A_4 = vector.load %arg2[%get3A_2, %get3A_3] : memref<128x128xf32, #tpu.memory_space<vmem>>, vector<128x128xf32>
    %dot_general3A = arith.constant dense<0.000000e+00> : vector<2000x128xf32>
    %dot_general3A_5 = tpu.matmul %get3A_1, %get3A_4, %dot_general3A {dimension_numbers = #tpu.dot_dimension_numbers<[1], [0], [0], [1], [0, 0, 1, 1], [], []>, transpose_lhs_hint = false} : vector<2000x128xf32>, vector<128x128xf32>, vector<2000x128xf32> -> vector<2000x128xf32>
    %swap3A = arith.constant 0 : index
    %swap3A_6 = arith.constant 0 : index
    %swap3A_7 = vector.load %arg3[%swap3A, %swap3A_6] : memref<2000x128xf32, #tpu.memory_space<vmem>>, vector<2000x128xf32>
    tpu.vector_store %arg3[%swap3A, %swap3A_6], %dot_general3A_5 {strides = array<i32>} : memref<2000x128xf32, #tpu.memory_space<vmem>>, vector<2000x128xf32>,
    return
  }
  func.func @transform_0(%arg0: i32) -> (i32, i32) {
    %c0_i32 = arith.constant 0 : i32
    %c0_i32_0 = arith.constant 0 : i32
    return %arg0, %c0_i32 : i32, i32
  }
  func.func @transform_1(%arg0: i32) -> (i32, i32) {
    %c0_i32 = arith.constant 0 : i32
    %c0_i32_0 = arith.constant 0 : i32
    %c0_i32_1 = arith.constant 0 : i32
    return %c0_i32, %c0_i32_0 : i32, i32
  }
  func.func @transform_2(%arg0: i32) -> (i32, i32) {
    %c0_i32 = arith.constant 0 : i32
    %c0_i32_0 = arith.constant 0 : i32
    return %arg0, %c0_i32 : i32, i32
  }
}

module attributes {stable_mosaic.version = 14 : i64} {
  func.func @_sum_body(%arg0: i32, %arg1: memref<2x2000x128xf32, #tpu.memory_space<vmem>>, %arg2: memref<2000x128xf32, #tpu.memory_space<vmem>>) attributes {dimension_semantics = [#tpu.dimension_semantics<arbitrary>], iteration_bounds = array<i64: 5>, scalar_prefetch = 0 : i64, scratch_operands = 0 : i64, tpu.core_type = #tpu.core_type<tc>, window_params = [{transform_indices = @transform_0, window_bounds = array<i64: 2, 2000, 128>}, {transform_indices = @transform_1, window_bounds = array<i64: 2000, 128>}]} {
    %get3A = arith.constant 0 : index
    %get3A_0 = arith.constant 0 : index
    %get3A_1 = arith.constant 0 : index
    %get3A_2 = vector.load %arg1[%get3A, %get3A_0, %get3A_1] : memref<2x2000x128xf32, #tpu.memory_space<vmem>>, vector<1x2000x128xf32>
    %get3A_3 = vector.shape_cast %get3A_2 : vector<1x2000x128xf32> to vector<2000x128xf32>
    %get3A_4 = arith.constant 1 : index
    %get3A_5 = arith.constant 0 : index
    %get3A_6 = arith.constant 0 : index
    %get3A_7 = vector.load %arg1[%get3A_4, %get3A_5, %get3A_6] : memref<2x2000x128xf32, #tpu.memory_space<vmem>>, vector<1x2000x128xf32>
    %get3A_8 = vector.shape_cast %get3A_7 : vector<1x2000x128xf32> to vector<2000x128xf32>
    %add3A = arith.addf %get3A_3, %get3A_8 : vector<2000x128xf32>
    %swap3A = arith.constant 0 : index
    %swap3A_9 = arith.constant 0 : index
    %swap3A_10 = vector.load %arg2[%swap3A, %swap3A_9] : memref<2000x128xf32, #tpu.memory_space<vmem>>, vector<2000x128xf32>
    tpu.vector_store %arg2[%swap3A, %swap3A_9], %add3A {strides = array<i32>} : memref<2000x128xf32, #tpu.memory_space<vmem>>, vector<2000x128xf32>,
    return
  }
  func.func @transform_0(%arg0: i32) -> (i32, i32, i32) {
    %c0_i32 = arith.constant 0 : i32
    %c0_i32_0 = arith.constant 0 : i32
    %c0_i32_1 = arith.constant 0 : i32
    return %c0_i32, %arg0, %c0_i32_0 : i32, i32, i32
  }
  func.func @transform_1(%arg0: i32) -> (i32, i32) {
    %c0_i32 = arith.constant 0 : i32
    %c0_i32_0 = arith.constant 0 : i32
    return %arg0, %c0_i32 : i32, i32
  }
}

</mosaic_0001>

<sc_bundles>
// kernel: kernel.5.cloned.1.call-start
scs
__scs_entry_jumppad:
0x0: {  	(pc) =	sbr.rel $0x88, $3  }
0x1: {  	(tag) =	ssettag $0x0;
	lr =	simm.s32 $0x1  }
0x2: {  	[smem:$0x3F9E] =	sst lr;
	_ =	strace $0xD0000000  }
0x3: {  	_ = 	snop  }
0x4: {  	_ = 	snop  }
0x5: {  	_ = 	snop  }
0x6: {  	_ = 	snop  }
0x7: {  	_ = 	snop  }
__scs_overlays_trampoline_lowered:
0x8: {  	[smem:$0x3FAD] =	sst s0  }
0x9: {  	[smem:$0x3FAE] =	sst s1  }
0xa: {  	[smem:$0x3FAF] =	sst s2  }
0xb: {  	[smem:$0x3FB0] =	sst s3  }
0xc: {  	[smem:$0x3FB1] =	sst s4  }
0xd: {  	[smem:$0x3FB2] =	sst s5  }
0xe: {  	[smem:$0x3FB3] =	sst s6  }
0xf: {  	[smem:$0x3FB4] =	sst s7  }
0x10: {  	[smem:$0x3FB5] =	sst s8  }
0x11: {  	[smem:$0x3FB6] =	sst s9;
	s0 =	simm.s32 @!p0 $0x0  }
0x12: {  	s1 =	sld [smem:$0x3F9C];
	s0 =	simm.s32 @p0 $0x1  }
0x13: {  	[smem:$0x3FB7] =	sst s0;
	s0 =	simm.s32 @!p1 $0x0  }
0x14: {  	s2 =	sld [smem:$0x3F9B];
	s0 =	simm.s32 @p1 $0x1  }
0x15: {  	[smem:$0x3FB8] =	sst s0;
	s0 =	simm.s32 @!p2 $0x0  }
0x16: {  	s3 =	sld [smem:$0x3FDB];
	s0 =	simm.s32 @p2 $0x1  }
0x17: {  	s4 =	simm.s32 $0x1BF5;
	[smem:$0x3FBA] =	sst s0  }
0x18: {  	s0 =	sld [smem:$0x3F9D];
	_ =	swait.ge [sflag:s4], $0x0  }
0x19: {  	s7 =	sld [smem:$0x3F9E]  }
0x1a: {  	s8 =	sadd.s32 $0xFFFFE003, lr  }
0x1b: {  	s9 =	sadd.s32 $0xFFFFFEF7, lr;
	s5 =	simm.s32 $0xFFFFFFFF;
	p2 =	slt.u32 s8, $0xFFFFF086  }
0x1c: {  	p1 =	slt.u32 s9, $0xF7A;
	s5 =	simm.s32 @!p2 $0x0  }
0x1d: {  	s5 =	simm.s32 @p1 $0x1;
	p0 =	seq.s32 s7, s2  }
0x1e: {  	s7 =	smul.u32 @!p0 $0xF7A, s2;
	p2 =	seq.s32 @!p0 s5, $0x0  }
0x1f: {  	s9 =	smul.u32 $0xF7A, s1;
	s8 =	simm.s32 @!p0 $0x1BF5;
	p2 =	por !p2, p0  }
0x20: {  	[sflag:s8] =	ssyncset.s32 @!p0 $0xFFFFF086;
	s6 =	sadd.s32 @!p0 s3, s7;
	s7 =	simm.s32 @!p0 $0x108  }
0x21: {  	s3 =	sadd.s32 s3, s9;
	s6 =	sadd.s32 @!p0 $0x88, s6;
	s7 =	simm.s32 @p2 $0x1082  }
0x22: {  	[simem:s7], [sflag:s8] =	dma.local @!p0 [hbm:s6], $0xF7A  }
0x23: {  	s9 =	sor.u32 $0xD0000000, s2;
	s6 =	simm.s32 $0x108;
	_ =	swait.ge @!p0 [sflag:s8], $0x0  }
0x24: {  	s3 =	sadd.s32 $0x88, s3;
	s6 =	simm.s32 @!p1 $0x1082;
	[sflag:s4] =	ssyncset.s32 $0xFFFFF086  }
0x25: {  	[simem:s6], [sflag:s4] =	dma.local [hbm:s3], $0xF7A  }
0x26: {  	[smem:$0x3F9E] =	sst s1;
	(tag) =	ssettag s2;
	_ =	strace s9  }
0x27: {  	s1 =	sld [smem:$0x3FAE]  }
0x28: {  	s2 =	sld [smem:$0x3FAF]  }
0x29: {  	s4 =	sld [smem:$0x3FB1]  }
0x2a: {  	p0 =	seq.s32 s5, $0x0;
	s5 =	sld [smem:$0x3FB2]  }
0x2b: {  	s6 =	sld [smem:$0x3FB3]  }
0x2c: {  	s7 =	sld [smem:$0x3FB4]  }
0x2d: {  	s3 =	simm.s32 $0x108;
	s8 =	sld [smem:$0x3FB5]  }
0x2e: {  	s3 =	simm.s32 @!p0 $0x1082;
	s9 =	sld [smem:$0x3FB6]  }
0x2f: {  	lr =	sadd.s32 s0, s3;
	s0 =	sld [smem:$0x3FAD]  }
0x30: {  	s3 =	sld [smem:$0x3FB0]  }
0x31: {  	[smem:$0x3FB9] =	sst s10  }
0x32: {  	s10 =	sld [smem:$0x3FB7];
	_ =	sdelay $0x3  }
0x33: {  	p0 =	seq.s32 s10, $0x1;
	s10 =	sld [smem:$0x3FB9];
	_ =	sdelay $0x3  }
0x34: {  	[smem:$0x3FB9] =	sst s10  }
0x35: {  	s10 =	sld [smem:$0x3FB8];
	_ =	sdelay $0x3  }
0x36: {  	p1 =	seq.s32 s10, $0x1;
	s10 =	sld [smem:$0x3FB9];
	_ =	sdelay $0x3  }
0x37: {  	[smem:$0x3FB9] =	sst s10  }
0x38: {  	s10 =	sld [smem:$0x3FBA]  }
0x39: {  	_ = 	snop;
	(pc) =	sbr.ind lr, $3  }
0x3a: {  	_ = 	snop  }
0x3b: {  	_ = 	snop  }
0x3c: {  	p2 =	seq.s32 s10, $0x1;
	s10 =	sld [smem:$0x3FB9]  }
0x3d: {  	_ =	shalt  }
0x3e: {  	_ =	shalt  }
0x3f: {  	_ =	shalt  }
0x40: {  	_ =	shalt  }
0x41: {  	_ =	shalt  }
0x42: {  	_ =	shalt  }
0x43: {  	_ =	shalt  }
0x44: {  	_ =	shalt  }
0x45: {  	_ =	shalt  }
0x46: {  	_ =	shalt  }
0x47: {  	_ =	shalt  }
0x48: {  	_ =	shalt  }
0x49: {  	_ =	shalt  }
0x4a: {  	_ =	shalt  }
0x4b: {  	_ =	shalt  }
0x4c: {  	_ =	shalt  }
0x4d: {  	_ =	shalt  }
0x4e: {  	_ =	shalt  }
0x4f: {  	_ =	shalt  }
0x50: {  	_ =	shalt  }
0x51: {  	_ =	shalt  }
0x52: {  	_ =	shalt  }
0x53: {  	_ =	shalt  }
0x54: {  	_ =	shalt  }
0x55: {  	_ =	shalt  }
0x56: {  	_ =	shalt  }
0x57: {  	_ =	shalt  }
0x58: {  	_ =	shalt  }
0x59: {  	_ =	shalt  }
0x5a: {  	_ =	shalt  }
0x5b: {  	_ =	shalt  }
0x5c: {  	_ =	shalt  }
0x5d: {  	_ =	shalt  }
0x5e: {  	_ =	shalt  }
0x5f: {  	_ =	shalt  }
0x60: {  	_ =	shalt  }
0x61: {  	_ =	shalt  }
0x62: {  	_ =	shalt  }
0x63: {  	_ =	shalt  }
0x64: {  	_ =	shalt  }
0x65: {  	_ =	shalt  }
0x66: {  	_ =	shalt  }
0x67: {  	_ =	shalt  }
0x68: {  	_ =	shalt  }
0x69: {  	_ =	shalt  }
0x6a: {  	_ =	shalt  }
0x6b: {  	_ =	shalt  }
0x6c: {  	_ =	shalt  }
0x6d: {  	_ =	shalt  }
0x6e: {  	_ =	shalt  }
0x6f: {  	_ =	shalt  }
0x70: {  	_ =	shalt  }
0x71: {  	_ =	shalt  }
0x72: {  	_ =	shalt  }
0x73: {  	_ =	shalt  }
0x74: {  	_ =	shalt  }
0x75: {  	_ =	shalt  }
0x76: {  	_ =	shalt  }
0x77: {  	_ =	shalt  }
0x78: {  	_ =	shalt  }
0x79: {  	_ =	shalt  }
0x7a: {  	_ =	shalt  }
0x7b: {  	_ =	shalt  }
0x7c: {  	_ =	shalt  }
0x7d: {  	_ =	shalt  }
0x7e: {  	_ =	shalt  }
0x7f: {  	_ =	shalt  }
0x80: {  	_ =	shalt  }
0x81: {  	_ =	shalt  }
0x82: {  	_ =	shalt  }
0x83: {  	_ =	shalt  }
0x84: {  	_ =	shalt  }
0x85: {  	_ =	shalt  }
0x86: {  	_ =	shalt  }
0x87: {  	_ =	shalt  }
.Lfunc_end0:
.L_simem_size_0:
called_computation_lowered:
.L_overlay_start_0:
0x88: {  	s2 =	sld [smem:$0x3FD9]  }
0x89: {  	s3 =	sld [smem:$0x3FFE];
	_ =	sdelay $0x1  }
0x8a: {  	s1 =	srdreg.scid  }
0x8b: {  	s0 =	sand.u32 $0x1, s1  }
0x8c: {  	s17 =	sshll.u32 s0, $0xA;
	s2 =	sadd.s32 s3, s2  }
0x8d: {  	s2 =	sadd.s32 s2, s17  }
0x8e: {  	[smem:$0x3FC5] =	sst s2  }
0x8f: {  	_ = 	snop  }
0x90: {  	s2 =	sld [smem:$0x3FD0];
	(tm) =	ssettm $0x1  }
0x91: {  	s18 =	sld [smem:$0x3FFB];
	_ =	sdelay $0x3  }
0x92: {  	_ =	strace s18  }
0x93: {  	s3 =	sld [smem:$0x3FFC];
	_ =	sdelay $0x3  }
0x94: {  	_ =	strace s3  }
0x95: {  	s3 =	sld [smem:$0x3FFD];
	_ =	sdelay $0x3  }
0x96: {  	_ =	strace s3  }
0x97: {  	_ =	strace $0x8FFFFFFF  }
0x98: {  	s19 =	sld [smem:$0x3FDB];
	_ =	sdelay $0x1  }
0x99: {  	s4 =	simm.s32 $_scs_section_size  }
0x9a: {  	s5 =	simm.s32 $_size__tile_overlayer_lowered;
	s6 =	simm.s32 $_tile_overlayer_lowered  }
0x9b: {  	s22 =	simm.s32 $0x1BFF;
	s21 =	sshll.u32 s6, $0x1;
	s3 =	sadd.s32 s4, s19  }
0x9c: {  	s7 =	simm.s32 $0x0;
	s20 =	sshll.u32 s5, $0x1;
	s5 =	sadd.s32 s21, s3  }
0x9d: {  	[timem:s7], [sflag:s22] =	dma.local [hbm:s5], s20  }
0x9e: {  	_ =	swait.ge [sflag:s22], s20  }
0x9f: {  	s4 =	ssub.s32 $0x0, s20;
	[sflag:s22] =	ssyncset.done $0x0  }
0xa0: {  	[sflag:s22] =	ssyncadd.s32 s4;
	_ =	sdelay $0x1  }
0xa1: {  	s23 =	simm.s32 $0x1B8B  }
0xa2: {  	_ =	swait.ge [sflag:s23], $0x1  }
0xa3: {  	[sflag:s23] =	ssyncset.done $0x0  }
0xa4: {  	s25 =	simm.s32 $0x1B8E;
	s24 =	sld [smem:$0x3FFE];
	[sflag:s23] =	ssyncadd.s32 $0xFFFFFFFF  }
0xa5: {  	s26 =	simm.s32 $execute0_lowered;
	[smem:$0x3FD2] =	sst s25  }
0xa6: {  	s5 =	sshll.u32 s26, $0x1;
	_ =	strace $0x80000046;
	[dreg:$0x1] =	wrdreg $0xFFFFFFFF  }
0xa7: {  	s28 =	simm.s32 $_size_execute0_lowered;
	s3 =	sadd.s32 s3, s5;
	[dreg:$0x0] =	wrdreg $0x0  }
0xa8: {  	s5 =	sshll.u32 s28, $0x1;
	[dreg:$0x2] =	wrdreg s3  }
0xa9: {  	[dreg:$0x3] =	wrdreg s5  }
0xaa: {  	[dreg:$0x4] =	wrdreg $0xC0  }
0xab: {  	_ =	task [dreg:s7], $0x5FFFF  }
0xac: {  	[dreg:$0x1] =	wrdreg $0xFFFFFFFF  }
0xad: {  	[dreg:$0x0] =	wrdreg $0x60  }
0xae: {  	[dreg:$0x2] =	wrdreg s2  }
0xaf: {  	[dreg:$0x3] =	wrdreg s24  }
0xb0: {  	[dreg:$0x4] =	wrdreg $0x0  }
0xb1: {  	[dreg:$0x5] =	wrdreg $0x9  }
0xb2: {  	_ =	task.clear_ibuf [dreg:s7], $0x6FFFF;
	_ =	strace $0x90000046  }
0xb3: {  	s29 =	simm.s32 $0x9;
	_ =	strace $0x80000048  }
0xb4: {  	_ =	swait.ge [sflag:s29], $0x1  }
0xb5: {  	[sflag:s29] =	ssyncadd.s32 $0xFFFFFFFF  }
0xb6: {  	_ =	strace $0x90000048  }
0xb7: {  	_ =	sfence  }
0xb8: {  	s30 =	sld [smem:$0x0];
	_ =	sdelay $0x2  }
0xb9: {  	s31 =	sshll.u32 s1, $0xD;
	s1 =	sshrl.u32 s1, $0x2  }
0xba: {  	s3 =	sand.u32 $0x4000, s31;
	s1 =	sadd.s32 s1, s30  }
0xbb: {  	s0 =	sor.u32 s3, s0;
	s1 =	sshll.u32 s1, $0x11  }
0xbc: {  	s0 =	sor.u32 s1, s0  }
0xbd: {  	s0 =	sadd.s32 $0x8F2B, s0  }
0xbe: {  	[sflag:s0] =	ssyncadd.remote.s32 $0x1  }
0xbf: {  	_ =	sfence.sel $0xFFFF  }
0xc0: {  	[dreg:$0x0] =	wrdreg $0xFFFFFFFF;
	(pc) =	sbr.abs _section_cstart, $3  }
0xc1: {  	[dreg:$0x1] =	wrdreg $0xFFFFFFFF  }
0xc2: {  	_ =	task.clear_ibuf [dreg:s7], $0x2FFFF;
	_ =	strace $0x9FFFFFFF  }
0xc3: {  	(tm) =	ssettm $0x7FFFFFFF  }
tec
execute0_lowered:
.L_overlay_start_1:
0x0: {  	(tag) =	ssettag $0x1  }
0x1: {  	s1 =	rddreg [dreg:$0x0]  }
0x2: {  	s5 =	rddreg [dreg:$0x1]  }
0x3: {  	s3 =	rddreg [dreg:$0x2]  }
0x4: {  	s0 =	rddreg [dreg:$0x3];
	s2 =	stileid.u32  }
0x5: {  	s4 =	simm.s32 $0x0;
	s6 =	srdreg.scid;
	s26 =	smul.u32 $0x4E0, s2  }
0x6: {  	s18 =	simm.s32 $0x80;
	[smem:$0x7FF] =	sst s4;
	s8 =	smul.u32 $0xEE0, s2  }
0x7: {  	s15 =	sand.u32 $0x1, s6;
	s9 =	sadd.s32 $0xA00, s5;
	s11 =	smul.u32 $0x50000, s2  }
0x8: {  	s13 =	sadd.s32 $0x14600, s5;
	s30 =	smul.u32 $0x14000, s2;
	p1 =	seq.s32 s2, $0xF  }
0x9: {  	_ =	strace $0x80000047;
	s7 =	ssub.s32 $0x2, s15;
	s12 =	smul.u32 $0x138800, s15  }
0xa: {  	p0 =	sne.s32 s15, $0x0;
	s15 =	simm.s32 $0x1B700;
	s20 =	sshll.u32 @!p1 s2, $0x6  }
0xb: {  	s10 =	sshrl.u32 s7, $0x1;
	s28 =	sadd.s32 s26, s9;
	s29 =	sshrl.u32 s11, $0x2  }
0xc: {  	s6 =	sadd.s32 s9, s8;
	s20 =	sor.u32 @!p1 $0x1C02, s20;
	s14 =	ssub.s32 s7, s10  }
0xd: {  	s5 =	sadd.s32 $0xEE00, s28;
	s7 =	sadd.s32 s29, s3;
	s31 =	sadd.s32 s30, s12  }
.Ltmp0:
0xe: {  	s17 =	sshrl.u32 s12, $0x3;
	s8 =	sadd.s32 $0x4000, s7;
	(pc) =	sbr.rel .LBB2_1-.Ltmp0, $4  }
0xf: {  	s9 =	sadd.s32 $0x8000, s7;
	s10 =	sadd.s32 $0xC000, s7;
	s16 =	sshrl.u32 s31, $0x3  }
0x10: {  	s11 =	sadd.s32 $0x10000, s7;
	s14 =	smax.u32 s14, $0x1;
	s19 =	sshrl.u32 @p1 s7, $0x3  }
0x11: {  	s21 =	sshrl.u32 @!p1 s7, $0x3;
	s12 =	sadd.s32 s13, s16;
	s13 =	sadd.s32 s13, s17  }
0x12: {  	v0 =	vimm.f32 $0.0e+00;
	s16 =	simm.s32 $0x2;
	s17 =	simm.s32 $0x1;
	s13 =	sadd.s32 $0x25800, s13  }
.LBB2_9:
0x13: {  	s23 =	sadd.s32 $0x14080, s22;
	[sflag:s16] =	ssyncadd.s32 $0xFFFFC000  }
0x14: {  	[tilespmem:s15], [sflag:$0x1] =	stream.indirect.gather [hbm4b:s1+s18], $0x80, s23, s18, $0xb8;
	[tilespmem:$0x1F700] =	vst v63  }
0x15: {  	_ =	swait.ge [sflag:s17], $0x4000  }
0x16: {  	[sflag:s17] =	ssyncset.done $0x0  }
0x17: {  	s31 =	sadd.s32 $0x14000, s22;
	[sflag:s17] =	ssyncadd.s32 $0xFFFFC000  }
0x18: {  	[spmem:s3] =	stream.indirect.scatter.add.f32 [tilespmem:s15], [sflag:$0x2], $0x80, s31, s18, $0xb8;
	[tilespmem:$0x1F700] =	vst v63  }
0x19: {  	_ =	swait.ge [sflag:s16], $0x4000  }
0x1a: {  	[sflag:s16] =	ssyncset.done $0x0  }
0x1b: {  	[sflag:s16] =	ssyncadd.s32 $0xFFFFC000  }
.LBB2_10:
0x1c: {  	[bflag:$0x0] =	sbarrier.arrive $0xFFFF;
	s22 =	simm.s32 @p1 $0x1FC2  }
0x1d: {  	[hbm:s13], [sflag:s22] =	dma.local @p1 [spmem:s19], $0x1900  }
0x1e: {  	s22 =	simm.s32 @p1 $0x2  }
0x1f: {  	s4 =	sadd.s32 $0x1, s4;
	_ =	swait.ge @p1 [sflag:s22], $0x1900  }
0x20: {  	p2 =	sne.s32 s4, s14;
	[sflag:s22] =	ssyncset.done @p1 $0x0  }
.Ltmp1:
0x21: {  	[sflag:s22] =	ssyncadd.s32 @p1 $0xFFFFE700;
	s22 =	simm.s32 @!p1 $0x2;
	(pc) =	sbr.rel @!p2 .LBB2_11-.Ltmp1, $4  }
0x22: {  	[hbm:s12], [sflag:s20] =	dma.local @!p1 [spmem:s21], $0x2800  }
0x23: {  	_ =	swait.ge @!p1 [sflag:s22], $0x2800  }
0x24: {  	[sflag:s22] =	ssyncset.done @!p1 $0x0  }
0x25: {  	[sflag:s22] =	ssyncadd.s32 @!p1 $0xFFFFD800  }
.LBB2_1:
0x26: {  	s22 =	simm.s32 @p0 $0x0;
	s23 =	simm.s32 @p0 $0x14000  }
0x27: {  	[tilespmem:s23], [sflag:$0x1] =	stream.linear.gather @p0 [hbm4b:s5+s22], $0x2700, $0x38;
	[tilespmem:$0x1F700] =	vst v63  }
0x28: {  	s22 =	simm.s32 @!p0 $0x0;
	s23 =	simm.s32 @!p0 $0x14000  }
0x29: {  	[tilespmem:s23], [sflag:$0x1] =	stream.linear.gather @!p0 [hbm4b:s6+s22], $0x7700, $0x38;
	[tilespmem:$0x1F700] =	vst v63  }
0x2a: {  	s22 =	simm.s32 $0x0;
	s23 =	simm.s32 $0x200  }
.LBB2_2:
0x2b: {  	p2 =	sne.s32 s23, $0xFE00;
	[tilespmem:s22+$0x1B770] =	vst v0  }
0x2c: {  	[tilespmem:s22+$0x1B700] =	vst v0  }
0x2d: {  	[tilespmem:s22+$0x1B710] =	vst v0  }
.Ltmp2:
0x2e: {  	[tilespmem:s22+$0x1B720] =	vst v0;
	(pc) =	sbr.rel @p2 .LBB2_2-.Ltmp2, $4  }
0x2f: {  	[tilespmem:s22+$0x1B730] =	vst v0  }
0x30: {  	[tilespmem:s22+$0x1B740] =	vst v0  }
0x31: {  	[tilespmem:s22+$0x1B750] =	vst v0  }
0x32: {  	[tilespmem:s22+$0x1B760] =	vst v0;
	s22 =	sshra.s32 s23, $0x2;
	s23 =	sadd.s32 $0x200, s23  }
0x33: {  	[tilespmem:s22+$0x1B770] =	vst v0  }
0x34: {  	[tilespmem:s22+$0x1B700] =	vst v0  }
0x35: {  	[tilespmem:s22+$0x1B710] =	vst v0  }
0x36: {  	[tilespmem:s22+$0x1B720] =	vst v0  }
0x37: {  	[tilespmem:s22+$0x1B730] =	vst v0  }
0x38: {  	[tilespmem:s22+$0x1B740] =	vst v0  }
0x39: {  	[tilespmem:s22+$0x1B750] =	vst v0  }
0x3a: {  	[tilespmem:s22+$0x1B760] =	vst v0  }
0x3b: {  	[spmem:s7] =	stream.linear.scatter [tilespmem:s15], [sflag:$0x2], $0x4000, $0x38;
	[tilespmem:$0x1F700] =	vst v63  }
0x3c: {  	_ =	swait.ge [sflag:s16], $0x4000  }
0x3d: {  	[sflag:s16] =	ssyncset.done $0x0  }
0x3e: {  	[sflag:s16] =	ssyncadd.s32 $0xFFFFC000  }
0x3f: {  	[spmem:s8] =	stream.linear.scatter [tilespmem:s15], [sflag:$0x2], $0x4000, $0x38;
	[tilespmem:$0x1F700] =	vst v63  }
0x40: {  	_ =	swait.ge [sflag:s16], $0x4000  }
0x41: {  	[sflag:s16] =	ssyncset.done $0x0  }
0x42: {  	[sflag:s16] =	ssyncadd.s32 $0xFFFFC000  }
0x43: {  	[spmem:s9] =	stream.linear.scatter [tilespmem:s15], [sflag:$0x2], $0x4000, $0x38;
	[tilespmem:$0x1F700] =	vst v63  }
0x44: {  	_ =	swait.ge [sflag:s16], $0x4000  }
0x45: {  	[sflag:s16] =	ssyncset.done $0x0  }
0x46: {  	[sflag:s16] =	ssyncadd.s32 $0xFFFFC000  }
0x47: {  	[spmem:s10] =	stream.linear.scatter [tilespmem:s15], [sflag:$0x2], $0x4000, $0x38;
	[tilespmem:$0x1F700] =	vst v63  }
0x48: {  	_ =	swait.ge [sflag:s16], $0x4000  }
0x49: {  	[sflag:s16] =	ssyncset.done $0x0  }
0x4a: {  	[sflag:s16] =	ssyncadd.s32 $0xFFFFC000  }
0x4b: {  	[spmem:s11] =	stream.linear.scatter [tilespmem:s15], [sflag:$0x2], $0x4000, $0x38;
	[tilespmem:$0x1F700] =	vst v63  }
.Ltmp3:
0x4c: {  	_ =	swait.ge [sflag:s16], $0x4000;
	(pc) =	sbr.rel @p0 .LBB2_7-.Ltmp3, $3  }
0x4d: {  	[sflag:s16] =	ssyncset.done $0x0  }
0x4e: {  	[sflag:s16] =	ssyncadd.s32 $0xFFFFC000  }
0x4f: {  	[bflag:$0x0] =	sbarrier.arrive $0xFFFF;
	_ =	sdelay $0x1  }
0x50: {  	_ =	swait.ge [sflag:s17], $0x7700  }
0x51: {  	[sflag:s17] =	ssyncset.done $0x0  }
0x52: {  	s22 =	simm.s32 $0x14080;
	[sflag:s17] =	ssyncadd.s32 $0xFFFF8900  }
0x53: {  	[tilespmem:s15], [sflag:$0x1] =	stream.indirect.gather [hbm4b:s1+s18], $0x80, s22, s18, $0xb8;
	[tilespmem:$0x1F700] =	vst v63  }
0x54: {  	_ =	swait.ge [sflag:s17], $0x4000  }
0x55: {  	[sflag:s17] =	ssyncset.done $0x0  }
0x56: {  	s31 =	simm.s32 $0x14000;
	[sflag:s17] =	ssyncadd.s32 $0xFFFFC000  }
0x57: {  	[spmem:s3] =	stream.indirect.scatter.add.f32 [tilespmem:s15], [sflag:$0x2], $0x80, s31, s18, $0xb8;
	[tilespmem:$0x1F700] =	vst v63  }
0x58: {  	_ =	swait.ge [sflag:s16], $0x4000  }
0x59: {  	s23 =	simm.s32 $0x800;
	s22 =	simm.s32 $0x100;
	[sflag:s16] =	ssyncset.done $0x0  }
.LBB2_5:
0x5a: {  	s24 =	sadd.s32 $0x14080, s22  }
0x5b: {  	[sflag:s16] =	ssyncadd.s32 $0xFFFFC000;
	s25 =	smov.u32 s23;
	s26 =	sadd.s32 $0x400, s23  }
0x5c: {  	[tilespmem:s15], [sflag:$0x1] =	stream.indirect.gather [hbm4b:s1+s18], $0x80, s24, s18, $0xb8;
	[tilespmem:$0x1F700] =	vst v63  }
0x5d: {  	p2 =	seq.s32 s23, $0x1D800;
	_ =	swait.ge [sflag:s17], $0x4000  }
.Ltmp4:
0x5e: {  	[sflag:s17] =	ssyncset.done $0x0;
	(pc) =	sbr.rel @!p2 .LBB2_5-.Ltmp4, $4  }
0x5f: {  	s22 =	sadd.s32 $0x14000, s22;
	[sflag:s17] =	ssyncadd.s32 $0xFFFFC000  }
0x60: {  	[spmem:s3] =	stream.indirect.scatter.add.f32 [tilespmem:s15], [sflag:$0x2], $0x80, s22, s18, $0xb8;
	[tilespmem:$0x1F700] =	vst v63  }
0x61: {  	_ =	swait.ge [sflag:s16], $0x4000  }
0x62: {  	s23 =	smov.u32 s26;
	s22 =	sshra.s32 s25, $0x2;
	[sflag:s16] =	ssyncset.done $0x0  }
0x63: {  	s23 =	sadd.s32 $0x14080, s22;
	[sflag:s16] =	ssyncadd.s32 $0xFFFFC000  }
0x64: {  	[tilespmem:s15], [sflag:$0x1] =	stream.indirect.gather [hbm4b:s1+s18], $0x80, s23, s18, $0xb8;
	[tilespmem:$0x1F700] =	vst v63  }
0x65: {  	_ =	swait.ge [sflag:s17], $0x4000  }
0x66: {  	[sflag:s17] =	ssyncset.done $0x0  }
.Ltmp5:
0x67: {  	s31 =	sadd.s32 $0x14000, s22;
	[sflag:s17] =	ssyncadd.s32 $0xFFFFC000;
	(pc) =	sbr.rel .LBB2_10-.Ltmp5, $4  }
0x68: {  	[spmem:s3] =	stream.indirect.scatter.add.f32 [tilespmem:s15], [sflag:$0x2], $0x80, s31, s18, $0xb8;
	[tilespmem:$0x1F700] =	vst v63  }
0x69: {  	_ =	swait.ge [sflag:s16], $0x4000  }
0x6a: {  	[sflag:s16] =	ssyncset.done $0x0  }
0x6b: {  	[sflag:s16] =	ssyncadd.s32 $0xFFFFC000  }
.LBB2_7:
0x6c: {  	_ =	swait.ge [sflag:s17], $0x2700  }
0x6d: {  	[sflag:s17] =	ssyncset.done $0x0  }
0x6e: {  	s22 =	simm.s32 $0x14080;
	[sflag:s17] =	ssyncadd.s32 $0xFFFFD900  }
0x6f: {  	[tilespmem:s15], [sflag:$0x1] =	stream.indirect.gather [hbm4b:s1+s18], $0x80, s22, s18, $0xb8;
	[tilespmem:$0x1F700] =	vst v63  }
0x70: {  	_ =	swait.ge [sflag:s17], $0x4000  }
0x71: {  	[sflag:s17] =	ssyncset.done $0x0  }
0x72: {  	s31 =	simm.s32 $0x14000;
	[sflag:s17] =	ssyncadd.s32 $0xFFFFC000  }
0x73: {  	[spmem:s3] =	stream.indirect.scatter.add.f32 [tilespmem:s15], [sflag:$0x2], $0x80, s31, s18, $0xb8;
	[tilespmem:$0x1F700] =	vst v63  }
0x74: {  	_ =	swait.ge [sflag:s16], $0x4000  }
0x75: {  	s23 =	simm.s32 $0x800;
	s22 =	simm.s32 $0x100;
	[sflag:s16] =	ssyncset.done $0x0  }
.LBB2_8:
0x76: {  	s24 =	sadd.s32 $0x14080, s22  }
0x77: {  	[sflag:s16] =	ssyncadd.s32 $0xFFFFC000;
	s25 =	smov.u32 s23;
	s26 =	sadd.s32 $0x400, s23  }
0x78: {  	[tilespmem:s15], [sflag:$0x1] =	stream.indirect.gather [hbm4b:s1+s18], $0x80, s24, s18, $0xb8;
	[tilespmem:$0x1F700] =	vst v63  }
0x79: {  	p2 =	sne.s32 s23, $0x9800;
	_ =	swait.ge [sflag:s17], $0x4000  }
.Ltmp6:
0x7a: {  	[sflag:s17] =	ssyncset.done $0x0;
	(pc) =	sbr.rel @p2 .LBB2_8-.Ltmp6, $4  }
0x7b: {  	s22 =	sadd.s32 $0x14000, s22;
	[sflag:s17] =	ssyncadd.s32 $0xFFFFC000  }
0x7c: {  	[spmem:s3] =	stream.indirect.scatter.add.f32 [tilespmem:s15], [sflag:$0x2], $0x80, s22, s18, $0xb8;
	[tilespmem:$0x1F700] =	vst v63  }
0x7d: {  	_ =	swait.ge [sflag:s16], $0x4000  }
0x7e: {  	s23 =	smov.u32 s26;
	s22 =	sshra.s32 s25, $0x2;
	[sflag:s16] =	ssyncset.done $0x0  }
.Ltmp7:
0x7f: {  	_ = 	snop;
	(pc) =	sbr.rel .LBB2_9-.Ltmp7, $1  }
0x80: {  	_ =	sdelay $0x3  }
.LBB2_11:
0x81: {  	_ =	sfence.sel $0x180000  }
0x82: {  	[bflag:$0x0] =	sbarrier.arrive $0xFFFF  }
0x83: {  	p0 =	sne.s32 s2, $0x0;
	_ =	strace $0x90000047  }
0x84: {  	s0 =	sadd.s32 @!p0 $0x100000, s0;
	[bflag:$0x2] =	sbarrier.arrive $0xFFFF  }
0x85: {  	[sflag:s0] =	ssyncadd.tile.s32 @!p0 $0x1;
	_ =	shalt  }
.Lfunc_end2:
_tile_overlayer_lowered:
.L_overlay_start_2:
0x86: {  	(tag) =	ssettag $0x2  }
0x87: {  	s0 =	rddreg [dreg:$0x0];
	s2 =	stileid.u32  }
0x88: {  	s1 =	rddreg [dreg:$0x1];
	p0 =	sne.s32 s2, $0x0  }
0x89: {  	s3 =	rddreg [dreg:$0x2];
	[bflag:$0x3] =	sbarrier.arrive $0xFFFF;
	s2 =	simm.s32 @!p0 $0x1C02  }
0x8a: {  	[timem:s3], [sflag:s2] =	dma.local @!p0 [hbm:s0], s1  }
0x8b: {  	s0 =	simm.s32 @!p0 $0x2  }
0x8c: {  	_ =	swait.ge @!p0 [sflag:s0], s1  }
0x8d: {  	s1 =	ssub.s32 @!p0 $0x0, s1;
	[sflag:s0] =	ssyncset.done @!p0 $0x0  }
0x8e: {  	[sflag:s0] =	ssyncadd.s32 @!p0 s1  }
0x8f: {  	[bflag:$0x3] =	sbarrier.arrive $0xFFFF  }
0x90: {  	_ =	shalt  }

</sc_bundles>
